<compile_context>
chip_gen: v7x
topology: tpu7x:2x2x1
jax: 0.10.2.dev20260603
libtpu: 0.0.44.dev20260713+nightly
codegen_flags: <defaults>
</compile_context>

<pallas_src>
import functools

import jax
import jax.numpy as jnp
from jax import lax
from jax.experimental import pallas as pl
from jax.experimental.pallas import tpu as pltpu
from jax.experimental.pallas import tpu_sc as plsc

N = 10000
E = 320000
D = 128

NC, NS = 2, 16
NW = NC * NS
EPT = E // NW
C = 80
ITERS = 125
CHUNKS = ITERS
EPTP = CHUNKS * C
NP = 10240
RPT = NP // NS


def _sc_aggregate(x, srcp, dstp):
    mesh = plsc.VectorSubcoreMesh(core_axis_name="c", subcore_axis_name="s")

    @functools.partial(
        pl.kernel,
        out_type=jax.ShapeDtypeStruct((NC, NP, D), jnp.float32),
        mesh=mesh,
        scratch_types=[
            pltpu.VMEM_SHARED((NP, D), jnp.float32),
            pltpu.VMEM((CHUNKS * C,), jnp.int32),
            pltpu.VMEM((CHUNKS, C), jnp.int32),
            pltpu.VMEM((C, D), jnp.float32),
            pltpu.VMEM((C, D), jnp.float32),
            pltpu.SemaphoreType.DMA,
            pltpu.SemaphoreType.DMA,
        ],
    )
    def agg_kernel(x_hbm, src_hbm, dst_hbm, parts_hbm,
                   acc, src_v, dst_v, rows0, rows1, g0, g1):
        c = lax.axis_index("c")
        s = lax.axis_index("s")
        g = c * NS + s
        rows = (rows0, rows1)
        gsem = (g0, g1)

        zv = jnp.zeros((16,), jnp.float32)

        def zstep(i, carry):
            rows0[i // 8, pl.ds((i % 8) * 16, 16)] = zv
            return carry

        lax.fori_loop(0, C * 8, zstep, 0)

        def zfan(k, carry):
            pltpu.async_copy(rows0, acc.at[pl.ds(s * RPT + k * C, C)], g0)
            return carry

        def zdrain(k, carry):
            pltpu.make_async_copy(rows0,
                                  acc.at[pl.ds(s * RPT + k * C, C)], g0).wait()
            return carry

        lax.fori_loop(0, RPT // C, zfan, 0)
        pltpu.sync_copy(src_hbm.at[g], src_v)
        pltpu.sync_copy(dst_hbm.at[g], dst_v)
        lax.fori_loop(0, RPT // C, zdrain, 0)
        plsc.subcore_barrier()

        def sidx(j):
            return src_v.at[pl.ds(j * C, C)]

        pltpu.async_copy(x_hbm.at[sidx(0)], rows0, g0)

        def body(jj, carry):
            for b in range(2):
                j = 2 * jj + b
                pltpu.make_async_copy(x_hbm.at[sidx(j)],
                                      rows[b], gsem[b]).wait()
                pltpu.async_copy(x_hbm.at[sidx(j + 1)],
                                 rows[1 - b], gsem[1 - b])
                pltpu.sync_copy(rows[b], acc.at[dst_v.at[j]], add=True)
            return carry

        lax.fori_loop(0, (ITERS - 1) // 2, body, 0)
        pltpu.make_async_copy(x_hbm.at[sidx(ITERS - 1)], rows0, g0).wait()
        pltpu.sync_copy(rows0, acc.at[dst_v.at[ITERS - 1]], add=True)
        plsc.subcore_barrier()

        def wstep(k, carry):
            pltpu.sync_copy(acc.at[pl.ds(s * RPT + k * C, C)], rows0)
            pltpu.sync_copy(rows0, parts_hbm.at[c, pl.ds(s * RPT + k * C, C)])
            return carry

        lax.fori_loop(0, RPT // C, wstep, 0)

    return agg_kernel(x, srcp, dstp)


def _tc_body(x_ref, p_ref, w1a_ref, w1b_ref, b1_ref, w2_ref, b2_ref, o_ref):
    agg = p_ref[0] + p_ref[1]
    h = jnp.dot(agg, w1a_ref[...], preferred_element_type=jnp.float32)
    h += jnp.dot(x_ref[...], w1b_ref[...], preferred_element_type=jnp.float32)
    h = jnp.maximum(h + b1_ref[...], 0.0)
    o_ref[...] = (jnp.dot(h, w2_ref[...], preferred_element_type=jnp.float32)
                  + b2_ref[...])


def _tc_finish(x, parts, W1, b1, W2, b2):
    R = 1000
    grid = (N // R,)
    w1a = W1[:D]
    w1b = W1[D:]
    return pl.pallas_call(
        _tc_body,
        grid=grid,
        in_specs=[
            pl.BlockSpec((R, D), lambda i: (i, 0)),
            pl.BlockSpec((NC, R, D), lambda i: (0, i, 0)),
            pl.BlockSpec((D, D), lambda i: (0, 0)),
            pl.BlockSpec((D, D), lambda i: (0, 0)),
            pl.BlockSpec((1, D), lambda i: (0, 0)),
            pl.BlockSpec((D, D), lambda i: (0, 0)),
            pl.BlockSpec((1, D), lambda i: (0, 0)),
        ],
        out_specs=pl.BlockSpec((R, D), lambda i: (i, 0)),
        out_shape=jax.ShapeDtypeStruct((N, D), jnp.float32),
    )(x, parts, w1a, w1b, b1.reshape(1, D), W2, b2.reshape(1, D))


def kernel(x, edge_index, W1, b1, W2, b2):
    ei = edge_index.astype(jnp.int32)
    pad = EPTP - EPT
    srcp = jnp.pad(ei[0].reshape(NW, EPT), ((0, 0), (0, pad)))
    deadrows = (N + (jnp.arange(NW * pad, dtype=jnp.int32) % (NP - N))
                ).reshape(NW, pad)
    dstp = jnp.concatenate([ei[1].reshape(NW, EPT), deadrows],
                           axis=1).reshape(NW, CHUNKS, C)
    parts = _sc_aggregate(x, srcp, dstp)
    return _tc_finish(x, parts, W1, b1, W2, b2)

# --- scband reference (transcript-rebuilt; emitter-appended) ---
"""Pipeline reference for scband-convolutional-layer-64879775973998 (READ-ONLY COPY).

The authoritative reference and input builder live on the scoring server;
editing this copy changes nothing except your own understanding.
"""

import jax, jax.numpy as jnp
import numpy as np

N_NODES = 10000
N_EDGES = 320000
D_IN = 128
D_OUT = 128
NHOPS = 1

def setup_inputs(seed: int = 0) -> dict:
    key = jax.random.key(seed)
    k1, k2, k3, k4 = jax.random.split(key, 4)
    x = jax.random.normal(k1, (N_NODES, D_IN), dtype=jnp.float32)
    edge_index = jax.random.randint(k2, (2, N_EDGES), 0, N_NODES, dtype=jnp.int64)
    W1 = jax.random.normal(k3, (2 * D_IN, D_IN), dtype=jnp.float32) * 0.05
    b1 = jnp.zeros((D_IN,), dtype=jnp.float32)
    W2 = jax.random.normal(k4, (D_IN, D_OUT), dtype=jnp.float32) * 0.05
    b2 = jnp.zeros((D_OUT,), dtype=jnp.float32)
    return {"x": x, "edge_index": edge_index, "W1": W1, "b1": b1, "W2": W2, "b2": b2}

def reference(x, edge_index, W1, b1, W2, b2):
    # ptensors1.transfer1(G.nhoods(nhops), G, False) with order-1 -> order-1 linmaps
    # produces 2*channels_in: [broadcast of neighborhood sum, identity/local copy].
    # We model the k-hop neighborhood sum via repeated scatter-add over edges.
    src = edge_index[0]
    dst = edge_index[1]
    agg = x
    for _ in range(NHOPS):
        agg = jnp.zeros_like(x).at[dst].add(agg[src])
    h = jnp.concatenate([agg, x], axis=1)  # [N, 2*d] : transfer1 doubled channels
    h = jax.nn.relu(h @ W1 + b1)           # lin1 + relu
    # dropout(prob=0.5) is identity in eval/reference mode
    out = h @ W2 + b2                      # lin2
    return out

if __name__ == "__main__":
    import jax
    _d = setup_inputs()
    print(jax.jit(kernel)(*tuple(_d.values())))

</pallas_src>

<mosaic_0001>
#map = affine_map<(d0, d1) -> (0, 0)>
#map1 = affine_map<(d0, d1) -> (0, 0, 0)>
module attributes {stable_mosaic.version = 14 : i64} {
  func.func @agg_kernel(%arg0: i32, %arg1: i32, %arg2: memref<10000x128xf32, #tpu.memory_space<hbm>>, %arg3: memref<32x10000xi32, #tpu.memory_space<hbm>>, %arg4: memref<32x125x80xi32, #tpu.memory_space<hbm>>, %arg5: memref<2x10240x128xf32, #tpu.memory_space<hbm>>, %arg6: memref<10240x128xf32, #tpu.memory_space<vmem_shared>>, %arg7: memref<10000xi32, #tpu.memory_space<vmem>>, %arg8: memref<125x80xi32, #tpu.memory_space<vmem>>, %arg9: memref<80x128xf32, #tpu.memory_space<vmem>>, %arg10: memref<80x128xf32, #tpu.memory_space<vmem>>, %arg11: memref<!tpu.dma_semaphore, #tpu.memory_space<semaphore_mem>>, %arg12: memref<!tpu.dma_semaphore, #tpu.memory_space<semaphore_mem>>) attributes {dimension_semantics = [#tpu.dimension_semantics<core_parallel>, #tpu.dimension_semantics<subcore_parallel>], iteration_bounds = array<i64: 2, 16>, scalar_prefetch = 0 : i64, scratch_operands = 7 : i64, tpu.core_type = #tpu.core_type<sc_vector_subcore>, window_params = [{transform_indices = #map}, {transform_indices = #map}, {transform_indices = #map1}, {transform_indices = #map1}]} {
    %mul3A = arith.constant 16 : i32
    %mul3A_0 = arith.muli %arg0, %mul3A : i32
    %add3A = arith.addi %mul3A_0, %arg1 : i32
    %broadcast_in_dim3A = arith.constant 0.000000e+00 : f32
    %broadcast_in_dim3A_1 = vector.broadcast %broadcast_in_dim3A : f32 to vector<16xf32>
    %scan3A = arith.constant 0 : i32
    %scan3A_2 = arith.constant 0 : i32
    %scan3A_3 = arith.constant 640 : i32
    %scan3A_4 = arith.addi %scan3A_2, %scan3A_3 : i32
    %scan3A_5 = arith.constant 1 : i32
    scf.for %scan3A_40 = %scan3A_2 to %scan3A_4 step %scan3A_5  : i32 {
      %jit3A = arith.constant 8 : i32
      %div3A = arith.divsi %scan3A_40, %jit3A : i32
      %sign3A = arith.constant 0 : i32
      %sign3A_41 = arith.cmpi sgt, %scan3A_40, %sign3A : i32
      %sign3A_42 = arith.extui %sign3A_41 : i1 to i32
      %sign3A_43 = arith.constant 0 : i32
      %sign3A_44 = arith.cmpi slt, %scan3A_40, %sign3A_43 : i32
      %sign3A_45 = arith.extui %sign3A_44 : i1 to i32
      %sign3A_46 = arith.subi %sign3A_42, %sign3A_45 : i32
      %sign3A_47 = arith.constant 0 : i32
      %sign3A_48 = arith.cmpi sgt, %jit3A, %sign3A_47 : i32
      %sign3A_49 = arith.extui %sign3A_48 : i1 to i32
      %sign3A_50 = arith.constant 0 : i32
      %sign3A_51 = arith.cmpi slt, %jit3A, %sign3A_50 : i32
      %sign3A_52 = arith.extui %sign3A_51 : i1 to i32
      %sign3A_53 = arith.subi %sign3A_49, %sign3A_52 : i32
      %ne3A = arith.cmpi ne, %sign3A_46, %sign3A_53 : i32
      %rem3A = arith.remsi %scan3A_40, %jit3A : i32
      %ne3A_54 = arith.constant 0 : i32
      %ne3A_55 = arith.cmpi ne, %rem3A, %ne3A_54 : i32
      %and3A = arith.andi %ne3A, %ne3A_55 : i1
      %sub3A = arith.constant 1 : i32
      %sub3A_56 = arith.subi %div3A, %sub3A : i32
      %select_n3A = arith.select %and3A, %sub3A_56, %div3A : i32
      %jit3A_57 = arith.constant 8 : i32
      %eq3A = arith.constant 0 : i32
      %eq3A_58 = arith.cmpi eq, %jit3A_57, %eq3A : i32
      %jit3A_59 = arith.constant 1 : i32
      %select_n3A_60 = arith.select %eq3A_58, %jit3A_59, %jit3A_57 : i32
      %rem3A_61 = arith.remsi %scan3A_40, %select_n3A_60 : i32
      %ne3A_62 = arith.constant 0 : i32
      %ne3A_63 = arith.cmpi ne, %rem3A_61, %ne3A_62 : i32
      %lt3A = arith.constant 0 : i32
      %lt3A_64 = arith.cmpi slt, %rem3A_61, %lt3A : i32
      %lt3A_65 = arith.constant 0 : i32
      %lt3A_66 = arith.cmpi slt, %select_n3A_60, %lt3A_65 : i32
      %ne3A_67 = arith.xori %lt3A_64, %lt3A_66 : i1
      %and3A_68 = arith.andi %ne3A_67, %ne3A_63 : i1
      %add3A_69 = arith.addi %rem3A_61, %select_n3A_60 : i32
      %select_n3A_70 = arith.select %and3A_68, %add3A_69, %rem3A_61 : i32
      %mul3A_71 = arith.constant 16 : i32
      %mul3A_72 = arith.muli %select_n3A_70, %mul3A_71 : i32
      %swap3A = arith.index_cast %select_n3A : i32 to index
      %swap3A_73 = arith.index_cast %mul3A_72 : i32 to index
      %swap3A_74 = tpu.vector_load %arg9[%swap3A, %swap3A_73] {strides = array<i32>} : memref<80x128xf32, #tpu.memory_space<vmem>>, vector<1x16xf32>,
      %swap3A_75 = vector.shape_cast %swap3A_74 : vector<1x16xf32> to vector<16xf32>
      %swap3A_76 = vector.shape_cast %broadcast_in_dim3A_1 : vector<16xf32> to vector<1x16xf32>
      tpu.vector_store %arg9[%swap3A, %swap3A_73], %swap3A_76 {strides = array<i32>} : memref<80x128xf32, #tpu.memory_space<vmem>>, vector<1x16xf32>,
    }
    %scan3A_6 = arith.constant 640 : i32
    %scan3A_7 = arith.constant 0 : i32
    %scan3A_8 = arith.constant 0 : i32
    %scan3A_9 = arith.constant 8 : i32
    %scan3A_10 = arith.addi %scan3A_8, %scan3A_9 : i32
    %scan3A_11 = arith.constant 1 : i32
    scf.for %scan3A_40 = %scan3A_8 to %scan3A_10 step %scan3A_11  : i32 {
      %mul3A_41 = arith.constant 640 : i32
      %mul3A_42 = arith.muli %arg1, %mul3A_41 : i32
      %mul3A_43 = arith.constant 80 : i32
      %mul3A_44 = arith.muli %scan3A_40, %mul3A_43 : i32
      %add3A_45 = arith.addi %mul3A_42, %mul3A_44 : i32
      %dma_start3A_46 = arith.constant 0 : i32
      %dma_start3A_47 = tpu.memref_slice %arg6[%add3A_45, %dma_start3A_46] : memref<10240x128xf32, #tpu.memory_space<vmem_shared>> -> memref<80x128xf32, #tpu.memory_space<vmem_shared>>
      %dma_start3A_48 = arith.constant 0 : i32
      %dma_start3A_49 = tpu.memref_slice %arg6[%add3A_45, %dma_start3A_48] : memref<10240x128xf32, #tpu.memory_space<vmem_shared>> -> memref<80x128xf32, #tpu.memory_space<vmem_shared>>
      tpu.enqueue_dma source(%arg9 : memref<80x128xf32, #tpu.memory_space<vmem>>) target(%dma_start3A_49 : memref<80x128xf32, #tpu.memory_space<vmem_shared>>) target_semaphore(%arg11 : memref<!tpu.dma_semaphore, #tpu.memory_space<semaphore_mem>>)
    }
    %scan3A_12 = arith.constant 8 : i32
    "tpu.region"() ({
      %run_scoped3A_40 = tpu.sem_alloc : memref<!tpu.dma_semaphore, #tpu.memory_space<semaphore_mem>>
      %dma_start3A_41 = arith.constant 0 : i32
      %dma_start3A_42 = tpu.memref_slice %arg3[%add3A, %dma_start3A_41] : memref<32x10000xi32, #tpu.memory_space<hbm>> -> memref<1x10000xi32, #tpu.memory_space<hbm>>
      %dma_start3A_43 = tpu.memref_squeeze %dma_start3A_42 : memref<1x10000xi32, #tpu.memory_space<hbm>> -> memref<10000xi32, #tpu.memory_space<hbm>>
      %dma_start3A_44 = arith.constant 0 : i32
      %dma_start3A_45 = tpu.memref_slice %arg3[%add3A, %dma_start3A_44] : memref<32x10000xi32, #tpu.memory_space<hbm>> -> memref<1x10000xi32, #tpu.memory_space<hbm>>
      %dma_start3A_46 = tpu.memref_squeeze %dma_start3A_45 : memref<1x10000xi32, #tpu.memory_space<hbm>> -> memref<10000xi32, #tpu.memory_space<hbm>>
      tpu.enqueue_dma source(%dma_start3A_46 : memref<10000xi32, #tpu.memory_space<hbm>>) target(%arg7 : memref<10000xi32, #tpu.memory_space<vmem>>) target_semaphore(%run_scoped3A_40 : memref<!tpu.dma_semaphore, #tpu.memory_space<semaphore_mem>>)
      %dma_wait3A_47 = arith.constant 0 : i32
      %dma_wait3A_48 = tpu.memref_slice %arg3[%add3A, %dma_wait3A_47] : memref<32x10000xi32, #tpu.memory_space<hbm>> -> memref<1x10000xi32, #tpu.memory_space<hbm>>
      %dma_wait3A_49 = tpu.memref_squeeze %dma_wait3A_48 : memref<1x10000xi32, #tpu.memory_space<hbm>> -> memref<10000xi32, #tpu.memory_space<hbm>>
      %dma_wait3A_50 = arith.constant 0 : i32
      %dma_wait3A_51 = tpu.memref_slice %arg3[%add3A, %dma_wait3A_50] : memref<32x10000xi32, #tpu.memory_space<hbm>> -> memref<1x10000xi32, #tpu.memory_space<hbm>>
      %dma_wait3A_52 = tpu.memref_squeeze %dma_wait3A_51 : memref<1x10000xi32, #tpu.memory_space<hbm>> -> memref<10000xi32, #tpu.memory_space<hbm>>
      tpu.wait_dma2 semaphore(%run_scoped3A_40 : memref<!tpu.dma_semaphore, #tpu.memory_space<semaphore_mem>>) src(%dma_wait3A_52 : memref<10000xi32, #tpu.memory_space<hbm>>) dst(%arg7 : memref<10000xi32, #tpu.memory_space<vmem>>)
      tpu.yield
    }) : () -> ()
    "tpu.region"() ({
      %run_scoped3A_40 = tpu.sem_alloc : memref<!tpu.dma_semaphore, #tpu.memory_space<semaphore_mem>>
      %dma_start3A_41 = arith.constant 0 : i32
      %dma_start3A_42 = arith.constant 0 : i32
      %dma_start3A_43 = tpu.memref_slice %arg4[%add3A, %dma_start3A_41, %dma_start3A_42] : memref<32x125x80xi32, #tpu.memory_space<hbm>> -> memref<1x125x80xi32, #tpu.memory_space<hbm>>
      %dma_start3A_44 = tpu.memref_squeeze %dma_start3A_43 : memref<1x125x80xi32, #tpu.memory_space<hbm>> -> memref<125x80xi32, #tpu.memory_space<hbm>>
      %dma_start3A_45 = arith.constant 0 : i32
      %dma_start3A_46 = arith.constant 0 : i32
      %dma_start3A_47 = tpu.memref_slice %arg4[%add3A, %dma_start3A_45, %dma_start3A_46] : memref<32x125x80xi32, #tpu.memory_space<hbm>> -> memref<1x125x80xi32, #tpu.memory_space<hbm>>
      %dma_start3A_48 = tpu.memref_squeeze %dma_start3A_47 : memref<1x125x80xi32, #tpu.memory_space<hbm>> -> memref<125x80xi32, #tpu.memory_space<hbm>>
      tpu.enqueue_dma source(%dma_start3A_48 : memref<125x80xi32, #tpu.memory_space<hbm>>) target(%arg8 : memref<125x80xi32, #tpu.memory_space<vmem>>) target_semaphore(%run_scoped3A_40 : memref<!tpu.dma_semaphore, #tpu.memory_space<semaphore_mem>>)
      %dma_wait3A_49 = arith.constant 0 : i32
      %dma_wait3A_50 = arith.constant 0 : i32
      %dma_wait3A_51 = tpu.memref_slice %arg4[%add3A, %dma_wait3A_49, %dma_wait3A_50] : memref<32x125x80xi32, #tpu.memory_space<hbm>> -> memref<1x125x80xi32, #tpu.memory_space<hbm>>
      %dma_wait3A_52 = tpu.memref_squeeze %dma_wait3A_51 : memref<1x125x80xi32, #tpu.memory_space<hbm>> -> memref<125x80xi32, #tpu.memory_space<hbm>>
      %dma_wait3A_53 = arith.constant 0 : i32
      %dma_wait3A_54 = arith.constant 0 : i32
      %dma_wait3A_55 = tpu.memref_slice %arg4[%add3A, %dma_wait3A_53, %dma_wait3A_54] : memref<32x125x80xi32, #tpu.memory_space<hbm>> -> memref<1x125x80xi32, #tpu.memory_space<hbm>>
      %dma_wait3A_56 = tpu.memref_squeeze %dma_wait3A_55 : memref<1x125x80xi32, #tpu.memory_space<hbm>> -> memref<125x80xi32, #tpu.memory_space<hbm>>
      tpu.wait_dma2 semaphore(%run_scoped3A_40 : memref<!tpu.dma_semaphore, #tpu.memory_space<semaphore_mem>>) src(%dma_wait3A_56 : memref<125x80xi32, #tpu.memory_space<hbm>>) dst(%arg8 : memref<125x80xi32, #tpu.memory_space<vmem>>)
      tpu.yield
    }) : () -> ()
    %scan3A_13 = arith.constant 0 : i32
    %scan3A_14 = arith.constant 0 : i32
    %scan3A_15 = arith.constant 8 : i32
    %scan3A_16 = arith.addi %scan3A_14, %scan3A_15 : i32
    %scan3A_17 = arith.constant 1 : i32
    scf.for %scan3A_40 = %scan3A_14 to %scan3A_16 step %scan3A_17  : i32 {
      %mul3A_41 = arith.constant 640 : i32
      %mul3A_42 = arith.muli %arg1, %mul3A_41 : i32
      %mul3A_43 = arith.constant 80 : i32
      %mul3A_44 = arith.muli %scan3A_40, %mul3A_43 : i32
      %add3A_45 = arith.addi %mul3A_42, %mul3A_44 : i32
      %dma_wait3A_46 = arith.constant 0 : i32
      %dma_wait3A_47 = tpu.memref_slice %arg6[%add3A_45, %dma_wait3A_46] : memref<10240x128xf32, #tpu.memory_space<vmem_shared>> -> memref<80x128xf32, #tpu.memory_space<vmem_shared>>
      %dma_wait3A_48 = arith.constant 0 : i32
      %dma_wait3A_49 = tpu.memref_slice %arg6[%add3A_45, %dma_wait3A_48] : memref<10240x128xf32, #tpu.memory_space<vmem_shared>> -> memref<80x128xf32, #tpu.memory_space<vmem_shared>>
      tpu.wait_dma2 semaphore(%arg11 : memref<!tpu.dma_semaphore, #tpu.memory_space<semaphore_mem>>) src(%arg9 : memref<80x128xf32, #tpu.memory_space<vmem>>) dst(%dma_wait3A_49 : memref<80x128xf32, #tpu.memory_space<vmem_shared>>)
    }
    %scan3A_18 = arith.constant 8 : i32
    %barrier3A = arith.constant 0 : index
    tpu.barrier barrier_id(%barrier3A)
    %dma_start3A = arith.constant 0 : i32
    %dma_start3A_19 = tpu.memref_slice %arg7[%dma_start3A] : memref<10000xi32, #tpu.memory_space<vmem>> -> memref<80xi32, #tpu.memory_space<vmem>>
    %dma_start3A_20 = arith.constant 0 : i32
    %dma_start3A_21 = arith.constant 0 : i32
    %dma_start3A_22 = tpu.memref_slice %arg2[%dma_start3A_20, %dma_start3A_21] : memref<10000x128xf32, #tpu.memory_space<hbm>> -> memref<10000x128xf32, #tpu.memory_space<hbm>>
    tpu.enqueue_indirect_dma source(%dma_start3A_22 : memref<10000x128xf32, #tpu.memory_space<hbm>>) target(%arg9 : memref<80x128xf32, #tpu.memory_space<vmem>>) offsets(%dma_start3A_19 : memref<80xi32, #tpu.memory_space<vmem>>) semaphore(%arg11 : memref<!tpu.dma_semaphore, #tpu.memory_space<semaphore_mem>>)
    %scan3A_23 = arith.constant 0 : i32
    %scan3A_24 = arith.constant 0 : i32
    %scan3A_25 = arith.constant 62 : i32
    %scan3A_26 = arith.addi %scan3A_24, %scan3A_25 : i32
    %scan3A_27 = arith.constant 1 : i32
    scf.for %scan3A_40 = %scan3A_24 to %scan3A_26 step %scan3A_27  : i32 {
      %mul3A_41 = arith.constant 2 : i32
      %mul3A_42 = arith.muli %mul3A_41, %scan3A_40 : i32
      %add3A_43 = arith.constant 0 : i32
      %add3A_44 = arith.addi %mul3A_42, %add3A_43 : i32
      %mul3A_45 = arith.constant 80 : i32
      %mul3A_46 = arith.muli %add3A_44, %mul3A_45 : i32
      %dma_wait3A_47 = tpu.memref_slice %arg7[%mul3A_46] : memref<10000xi32, #tpu.memory_space<vmem>> -> memref<80xi32, #tpu.memory_space<vmem>>
      %dma_wait3A_48 = arith.constant 0 : i32
      %dma_wait3A_49 = arith.constant 0 : i32
      %dma_wait3A_50 = tpu.memref_slice %arg2[%dma_wait3A_48, %dma_wait3A_49] : memref<10000x128xf32, #tpu.memory_space<hbm>> -> memref<10000x128xf32, #tpu.memory_space<hbm>>
      tpu.wait_indirect_dma semaphore(%arg11 : memref<!tpu.dma_semaphore, #tpu.memory_space<semaphore_mem>>) src(%dma_wait3A_50 : memref<10000x128xf32, #tpu.memory_space<hbm>>) dst(%arg9 : memref<80x128xf32, #tpu.memory_space<vmem>>)
      %add3A_51 = arith.constant 1 : i32
      %add3A_52 = arith.addi %add3A_44, %add3A_51 : i32
      %mul3A_53 = arith.constant 80 : i32
      %mul3A_54 = arith.muli %add3A_52, %mul3A_53 : i32
      %dma_start3A_55 = tpu.memref_slice %arg7[%mul3A_54] : memref<10000xi32, #tpu.memory_space<vmem>> -> memref<80xi32, #tpu.memory_space<vmem>>
      %dma_start3A_56 = arith.constant 0 : i32
      %dma_start3A_57 = arith.constant 0 : i32
      %dma_start3A_58 = tpu.memref_slice %arg2[%dma_start3A_56, %dma_start3A_57] : memref<10000x128xf32, #tpu.memory_space<hbm>> -> memref<10000x128xf32, #tpu.memory_space<hbm>>
      tpu.enqueue_indirect_dma source(%dma_start3A_58 : memref<10000x128xf32, #tpu.memory_space<hbm>>) target(%arg10 : memref<80x128xf32, #tpu.memory_space<vmem>>) offsets(%dma_start3A_55 : memref<80xi32, #tpu.memory_space<vmem>>) semaphore(%arg12 : memref<!tpu.dma_semaphore, #tpu.memory_space<semaphore_mem>>)
      "tpu.region"() ({
        %run_scoped3A_77 = tpu.sem_alloc : memref<!tpu.dma_semaphore, #tpu.memory_space<semaphore_mem>>
        %dma_start3A_78 = arith.constant 0 : i32
        %dma_start3A_79 = tpu.memref_slice %arg8[%add3A_44, %dma_start3A_78] : memref<125x80xi32, #tpu.memory_space<vmem>> -> memref<1x80xi32, #tpu.memory_space<vmem>>
        %dma_start3A_80 = tpu.memref_squeeze %dma_start3A_79 : memref<1x80xi32, #tpu.memory_space<vmem>> -> memref<80xi32, #tpu.memory_space<vmem>>
        %dma_start3A_81 = arith.constant 0 : i32
        %dma_start3A_82 = arith.constant 0 : i32
        %dma_start3A_83 = tpu.memref_slice %arg6[%dma_start3A_81, %dma_start3A_82] : memref<10240x128xf32, #tpu.memory_space<vmem_shared>> -> memref<10240x128xf32, #tpu.memory_space<vmem_shared>>
        tpu.enqueue_indirect_dma source(%arg9 : memref<80x128xf32, #tpu.memory_space<vmem>>) target(%dma_start3A_83 : memref<10240x128xf32, #tpu.memory_space<vmem_shared>>) offsets(%dma_start3A_80 : memref<80xi32, #tpu.memory_space<vmem>>) semaphore(%run_scoped3A_77 : memref<!tpu.dma_semaphore, #tpu.memory_space<semaphore_mem>>) {add = true}
        %dma_wait3A_84 = arith.constant 0 : i32
        %dma_wait3A_85 = tpu.memref_slice %arg8[%add3A_44, %dma_wait3A_84] : memref<125x80xi32, #tpu.memory_space<vmem>> -> memref<1x80xi32, #tpu.memory_space<vmem>>
        %dma_wait3A_86 = tpu.memref_squeeze %dma_wait3A_85 : memref<1x80xi32, #tpu.memory_space<vmem>> -> memref<80xi32, #tpu.memory_space<vmem>>
        %dma_wait3A_87 = arith.constant 0 : i32
        %dma_wait3A_88 = arith.constant 0 : i32
        %dma_wait3A_89 = tpu.memref_slice %arg6[%dma_wait3A_87, %dma_wait3A_88] : memref<10240x128xf32, #tpu.memory_space<vmem_shared>> -> memref<10240x128xf32, #tpu.memory_space<vmem_shared>>
        tpu.wait_indirect_dma semaphore(%run_scoped3A_77 : memref<!tpu.dma_semaphore, #tpu.memory_space<semaphore_mem>>) src(%arg9 : memref<80x128xf32, #tpu.memory_space<vmem>>) dst(%dma_wait3A_89 : memref<10240x128xf32, #tpu.memory_space<vmem_shared>>)
        tpu.yield
      }) : () -> ()
      %mul3A_59 = arith.constant 2 : i32
      %mul3A_60 = arith.muli %mul3A_59, %scan3A_40 : i32
      %add3A_61 = arith.constant 1 : i32
      %add3A_62 = arith.addi %mul3A_60, %add3A_61 : i32
      %mul3A_63 = arith.constant 80 : i32
      %mul3A_64 = arith.muli %add3A_62, %mul3A_63 : i32
      %dma_wait3A_65 = tpu.memref_slice %arg7[%mul3A_64] : memref<10000xi32, #tpu.memory_space<vmem>> -> memref<80xi32, #tpu.memory_space<vmem>>
      %dma_wait3A_66 = arith.constant 0 : i32
      %dma_wait3A_67 = arith.constant 0 : i32
      %dma_wait3A_68 = tpu.memref_slice %arg2[%dma_wait3A_66, %dma_wait3A_67] : memref<10000x128xf32, #tpu.memory_space<hbm>> -> memref<10000x128xf32, #tpu.memory_space<hbm>>
      tpu.wait_indirect_dma semaphore(%arg12 : memref<!tpu.dma_semaphore, #tpu.memory_space<semaphore_mem>>) src(%dma_wait3A_68 : memref<10000x128xf32, #tpu.memory_space<hbm>>) dst(%arg10 : memref<80x128xf32, #tpu.memory_space<vmem>>)
      %add3A_69 = arith.constant 1 : i32
      %add3A_70 = arith.addi %add3A_62, %add3A_69 : i32
      %mul3A_71 = arith.constant 80 : i32
      %mul3A_72 = arith.muli %add3A_70, %mul3A_71 : i32
      %dma_start3A_73 = tpu.memref_slice %arg7[%mul3A_72] : memref<10000xi32, #tpu.memory_space<vmem>> -> memref<80xi32, #tpu.memory_space<vmem>>
      %dma_start3A_74 = arith.constant 0 : i32
      %dma_start3A_75 = arith.constant 0 : i32
      %dma_start3A_76 = tpu.memref_slice %arg2[%dma_start3A_74, %dma_start3A_75] : memref<10000x128xf32, #tpu.memory_space<hbm>> -> memref<10000x128xf32, #tpu.memory_space<hbm>>
      tpu.enqueue_indirect_dma source(%dma_start3A_76 : memref<10000x128xf32, #tpu.memory_space<hbm>>) target(%arg9 : memref<80x128xf32, #tpu.memory_space<vmem>>) offsets(%dma_start3A_73 : memref<80xi32, #tpu.memory_space<vmem>>) semaphore(%arg11 : memref<!tpu.dma_semaphore, #tpu.memory_space<semaphore_mem>>)
      "tpu.region"() ({
        %run_scoped3A_77 = tpu.sem_alloc : memref<!tpu.dma_semaphore, #tpu.memory_space<semaphore_mem>>
        %dma_start3A_78 = arith.constant 0 : i32
        %dma_start3A_79 = tpu.memref_slice %arg8[%add3A_62, %dma_start3A_78] : memref<125x80xi32, #tpu.memory_space<vmem>> -> memref<1x80xi32, #tpu.memory_space<vmem>>
        %dma_start3A_80 = tpu.memref_squeeze %dma_start3A_79 : memref<1x80xi32, #tpu.memory_space<vmem>> -> memref<80xi32, #tpu.memory_space<vmem>>
        %dma_start3A_81 = arith.constant 0 : i32
        %dma_start3A_82 = arith.constant 0 : i32
        %dma_start3A_83 = tpu.memref_slice %arg6[%dma_start3A_81, %dma_start3A_82] : memref<10240x128xf32, #tpu.memory_space<vmem_shared>> -> memref<10240x128xf32, #tpu.memory_space<vmem_shared>>
        tpu.enqueue_indirect_dma source(%arg10 : memref<80x128xf32, #tpu.memory_space<vmem>>) target(%dma_start3A_83 : memref<10240x128xf32, #tpu.memory_space<vmem_shared>>) offsets(%dma_start3A_80 : memref<80xi32, #tpu.memory_space<vmem>>) semaphore(%run_scoped3A_77 : memref<!tpu.dma_semaphore, #tpu.memory_space<semaphore_mem>>) {add = true}
        %dma_wait3A_84 = arith.constant 0 : i32
        %dma_wait3A_85 = tpu.memref_slice %arg8[%add3A_62, %dma_wait3A_84] : memref<125x80xi32, #tpu.memory_space<vmem>> -> memref<1x80xi32, #tpu.memory_space<vmem>>
        %dma_wait3A_86 = tpu.memref_squeeze %dma_wait3A_85 : memref<1x80xi32, #tpu.memory_space<vmem>> -> memref<80xi32, #tpu.memory_space<vmem>>
        %dma_wait3A_87 = arith.constant 0 : i32
        %dma_wait3A_88 = arith.constant 0 : i32
        %dma_wait3A_89 = tpu.memref_slice %arg6[%dma_wait3A_87, %dma_wait3A_88] : memref<10240x128xf32, #tpu.memory_space<vmem_shared>> -> memref<10240x128xf32, #tpu.memory_space<vmem_shared>>
        tpu.wait_indirect_dma semaphore(%run_scoped3A_77 : memref<!tpu.dma_semaphore, #tpu.memory_space<semaphore_mem>>) src(%arg10 : memref<80x128xf32, #tpu.memory_space<vmem>>) dst(%dma_wait3A_89 : memref<10240x128xf32, #tpu.memory_space<vmem_shared>>)
        tpu.yield
      }) : () -> ()
    }
    %scan3A_28 = arith.constant 62 : i32
    %dma_wait3A = arith.constant 9920 : i32
    %dma_wait3A_29 = tpu.memref_slice %arg7[%dma_wait3A] : memref<10000xi32, #tpu.memory_space<vmem>> -> memref<80xi32, #tpu.memory_space<vmem>>
    %dma_wait3A_30 = arith.constant 0 : i32
    %dma_wait3A_31 = arith.constant 0 : i32
    %dma_wait3A_32 = tpu.memref_slice %arg2[%dma_wait3A_30, %dma_wait3A_31] : memref<10000x128xf32, #tpu.memory_space<hbm>> -> memref<10000x128xf32, #tpu.memory_space<hbm>>
    tpu.wait_indirect_dma semaphore(%arg11 : memref<!tpu.dma_semaphore, #tpu.memory_space<semaphore_mem>>) src(%dma_wait3A_32 : memref<10000x128xf32, #tpu.memory_space<hbm>>) dst(%arg9 : memref<80x128xf32, #tpu.memory_space<vmem>>)
    %run_scoped3A = arith.constant 124 : i32
    "tpu.region"() ({
      %run_scoped3A_40 = tpu.sem_alloc : memref<!tpu.dma_semaphore, #tpu.memory_space<semaphore_mem>>
      %dma_start3A_41 = arith.constant 0 : i32
      %dma_start3A_42 = tpu.memref_slice %arg8[%run_scoped3A, %dma_start3A_41] : memref<125x80xi32, #tpu.memory_space<vmem>> -> memref<1x80xi32, #tpu.memory_space<vmem>>
      %dma_start3A_43 = tpu.memref_squeeze %dma_start3A_42 : memref<1x80xi32, #tpu.memory_space<vmem>> -> memref<80xi32, #tpu.memory_space<vmem>>
      %dma_start3A_44 = arith.constant 0 : i32
      %dma_start3A_45 = arith.constant 0 : i32
      %dma_start3A_46 = tpu.memref_slice %arg6[%dma_start3A_44, %dma_start3A_45] : memref<10240x128xf32, #tpu.memory_space<vmem_shared>> -> memref<10240x128xf32, #tpu.memory_space<vmem_shared>>
      tpu.enqueue_indirect_dma source(%arg9 : memref<80x128xf32, #tpu.memory_space<vmem>>) target(%dma_start3A_46 : memref<10240x128xf32, #tpu.memory_space<vmem_shared>>) offsets(%dma_start3A_43 : memref<80xi32, #tpu.memory_space<vmem>>) semaphore(%run_scoped3A_40 : memref<!tpu.dma_semaphore, #tpu.memory_space<semaphore_mem>>) {add = true}
      %dma_wait3A_47 = arith.constant 0 : i32
      %dma_wait3A_48 = tpu.memref_slice %arg8[%run_scoped3A, %dma_wait3A_47] : memref<125x80xi32, #tpu.memory_space<vmem>> -> memref<1x80xi32, #tpu.memory_space<vmem>>
      %dma_wait3A_49 = tpu.memref_squeeze %dma_wait3A_48 : memref<1x80xi32, #tpu.memory_space<vmem>> -> memref<80xi32, #tpu.memory_space<vmem>>
      %dma_wait3A_50 = arith.constant 0 : i32
      %dma_wait3A_51 = arith.constant 0 : i32
      %dma_wait3A_52 = tpu.memref_slice %arg6[%dma_wait3A_50, %dma_wait3A_51] : memref<10240x128xf32, #tpu.memory_space<vmem_shared>> -> memref<10240x128xf32, #tpu.memory_space<vmem_shared>>
      tpu.wait_indirect_dma semaphore(%run_scoped3A_40 : memref<!tpu.dma_semaphore, #tpu.memory_space<semaphore_mem>>) src(%arg9 : memref<80x128xf32, #tpu.memory_space<vmem>>) dst(%dma_wait3A_52 : memref<10240x128xf32, #tpu.memory_space<vmem_shared>>)
      tpu.yield
    }) : () -> ()
    %barrier3A_33 = arith.constant 0 : index
    tpu.barrier barrier_id(%barrier3A_33)
    %scan3A_34 = arith.constant 0 : i32
    %scan3A_35 = arith.constant 0 : i32
    %scan3A_36 = arith.constant 8 : i32
    %scan3A_37 = arith.addi %scan3A_35, %scan3A_36 : i32
    %scan3A_38 = arith.constant 1 : i32
    scf.for %scan3A_40 = %scan3A_35 to %scan3A_37 step %scan3A_38  : i32 {
      %mul3A_41 = arith.constant 640 : i32
      %mul3A_42 = arith.muli %arg1, %mul3A_41 : i32
      %mul3A_43 = arith.constant 80 : i32
      %mul3A_44 = arith.muli %scan3A_40, %mul3A_43 : i32
      %add3A_45 = arith.addi %mul3A_42, %mul3A_44 : i32
      "tpu.region"() ({
        %run_scoped3A_51 = tpu.sem_alloc : memref<!tpu.dma_semaphore, #tpu.memory_space<semaphore_mem>>
        %dma_start3A_52 = arith.constant 0 : i32
        %dma_start3A_53 = tpu.memref_slice %arg6[%add3A_45, %dma_start3A_52] : memref<10240x128xf32, #tpu.memory_space<vmem_shared>> -> memref<80x128xf32, #tpu.memory_space<vmem_shared>>
        %dma_start3A_54 = arith.constant 0 : i32
        %dma_start3A_55 = tpu.memref_slice %arg6[%add3A_45, %dma_start3A_54] : memref<10240x128xf32, #tpu.memory_space<vmem_shared>> -> memref<80x128xf32, #tpu.memory_space<vmem_shared>>
        tpu.enqueue_dma source(%dma_start3A_55 : memref<80x128xf32, #tpu.memory_space<vmem_shared>>) target(%arg9 : memref<80x128xf32, #tpu.memory_space<vmem>>) target_semaphore(%run_scoped3A_51 : memref<!tpu.dma_semaphore, #tpu.memory_space<semaphore_mem>>)
        %dma_wait3A_56 = arith.constant 0 : i32
        %dma_wait3A_57 = tpu.memref_slice %arg6[%add3A_45, %dma_wait3A_56] : memref<10240x128xf32, #tpu.memory_space<vmem_shared>> -> memref<80x128xf32, #tpu.memory_space<vmem_shared>>
        %dma_wait3A_58 = arith.constant 0 : i32
        %dma_wait3A_59 = tpu.memref_slice %arg6[%add3A_45, %dma_wait3A_58] : memref<10240x128xf32, #tpu.memory_space<vmem_shared>> -> memref<80x128xf32, #tpu.memory_space<vmem_shared>>
        tpu.wait_dma2 semaphore(%run_scoped3A_51 : memref<!tpu.dma_semaphore, #tpu.memory_space<semaphore_mem>>) src(%dma_wait3A_59 : memref<80x128xf32, #tpu.memory_space<vmem_shared>>) dst(%arg9 : memref<80x128xf32, #tpu.memory_space<vmem>>)
        tpu.yield
      }) : () -> ()
      %mul3A_46 = arith.constant 640 : i32
      %mul3A_47 = arith.muli %arg1, %mul3A_46 : i32
      %mul3A_48 = arith.constant 80 : i32
      %mul3A_49 = arith.muli %scan3A_40, %mul3A_48 : i32
      %add3A_50 = arith.addi %mul3A_47, %mul3A_49 : i32
      "tpu.region"() ({
        %run_scoped3A_51 = tpu.sem_alloc : memref<!tpu.dma_semaphore, #tpu.memory_space<semaphore_mem>>
        %dma_start3A_52 = arith.constant 0 : i32
        %dma_start3A_53 = tpu.memref_slice %arg5[%arg0, %add3A_50, %dma_start3A_52] : memref<2x10240x128xf32, #tpu.memory_space<hbm>> -> memref<1x80x128xf32, #tpu.memory_space<hbm>>
        %dma_start3A_54 = tpu.memref_squeeze %dma_start3A_53 : memref<1x80x128xf32, #tpu.memory_space<hbm>> -> memref<80x128xf32, #tpu.memory_space<hbm>>
        %dma_start3A_55 = arith.constant 0 : i32
        %dma_start3A_56 = tpu.memref_slice %arg5[%arg0, %add3A_50, %dma_start3A_55] : memref<2x10240x128xf32, #tpu.memory_space<hbm>> -> memref<1x80x128xf32, #tpu.memory_space<hbm>>
        %dma_start3A_57 = tpu.memref_squeeze %dma_start3A_56 : memref<1x80x128xf32, #tpu.memory_space<hbm>> -> memref<80x128xf32, #tpu.memory_space<hbm>>
        tpu.enqueue_dma source(%arg9 : memref<80x128xf32, #tpu.memory_space<vmem>>) target(%dma_start3A_57 : memref<80x128xf32, #tpu.memory_space<hbm>>) target_semaphore(%run_scoped3A_51 : memref<!tpu.dma_semaphore, #tpu.memory_space<semaphore_mem>>)
        %dma_wait3A_58 = arith.constant 0 : i32
        %dma_wait3A_59 = tpu.memref_slice %arg5[%arg0, %add3A_50, %dma_wait3A_58] : memref<2x10240x128xf32, #tpu.memory_space<hbm>> -> memref<1x80x128xf32, #tpu.memory_space<hbm>>
        %dma_wait3A_60 = tpu.memref_squeeze %dma_wait3A_59 : memref<1x80x128xf32, #tpu.memory_space<hbm>> -> memref<80x128xf32, #tpu.memory_space<hbm>>
        %dma_wait3A_61 = arith.constant 0 : i32
        %dma_wait3A_62 = tpu.memref_slice %arg5[%arg0, %add3A_50, %dma_wait3A_61] : memref<2x10240x128xf32, #tpu.memory_space<hbm>> -> memref<1x80x128xf32, #tpu.memory_space<hbm>>
        %dma_wait3A_63 = tpu.memref_squeeze %dma_wait3A_62 : memref<1x80x128xf32, #tpu.memory_space<hbm>> -> memref<80x128xf32, #tpu.memory_space<hbm>>
        tpu.wait_dma2 semaphore(%run_scoped3A_51 : memref<!tpu.dma_semaphore, #tpu.memory_space<semaphore_mem>>) src(%arg9 : memref<80x128xf32, #tpu.memory_space<vmem>>) dst(%dma_wait3A_63 : memref<80x128xf32, #tpu.memory_space<hbm>>)
        tpu.yield
      }) : () -> ()
    }
    %scan3A_39 = arith.constant 8 : i32
    return
  }
}

module attributes {stable_mosaic.version = 14 : i64} {
  func.func @_tc_body(%arg0: i32, %arg1: memref<1000x128xf32, #tpu.memory_space<vmem>>, %arg2: memref<2x1000x128xf32, #tpu.memory_space<vmem>>, %arg3: memref<128x128xf32, #tpu.memory_space<vmem>>, %arg4: memref<128x128xf32, #tpu.memory_space<vmem>>, %arg5: memref<1x128xf32, #tpu.memory_space<vmem>>, %arg6: memref<128x128xf32, #tpu.memory_space<vmem>>, %arg7: memref<1x128xf32, #tpu.memory_space<vmem>>, %arg8: memref<1000x128xf32, #tpu.memory_space<vmem>>) attributes {dimension_semantics = [#tpu.dimension_semantics<arbitrary>], iteration_bounds = array<i64: 10>, scalar_prefetch = 0 : i64, scratch_operands = 0 : i64, tpu.core_type = #tpu.core_type<tc>, window_params = [{transform_indices = @transform_0, window_bounds = array<i64: 1000, 128>}, {transform_indices = @transform_1, window_bounds = array<i64: 2, 1000, 128>}, {pipeline_mode = #tpu.pipeline_mode<synchronous>, transform_indices = @transform_2, window_bounds = array<i64: 128, 128>}, {pipeline_mode = #tpu.pipeline_mode<synchronous>, transform_indices = @transform_3, window_bounds = array<i64: 128, 128>}, {pipeline_mode = #tpu.pipeline_mode<synchronous>, transform_indices = @transform_4, window_bounds = array<i64: 1, 128>}, {pipeline_mode = #tpu.pipeline_mode<synchronous>, transform_indices = @transform_5, window_bounds = array<i64: 128, 128>}, {pipeline_mode = #tpu.pipeline_mode<synchronous>, transform_indices = @transform_6, window_bounds = array<i64: 1, 128>}, {transform_indices = @transform_7, window_bounds = array<i64: 1000, 128>}]} {
    %get3A = arith.constant 0 : index
    %get3A_0 = arith.constant 0 : index
    %get3A_1 = arith.constant 0 : index
    %get3A_2 = vector.load %arg2[%get3A, %get3A_0, %get3A_1] : memref<2x1000x128xf32, #tpu.memory_space<vmem>>, vector<1x1000x128xf32>
    %get3A_3 = vector.shape_cast %get3A_2 : vector<1x1000x128xf32> to vector<1000x128xf32>
    %get3A_4 = arith.constant 1 : index
    %get3A_5 = arith.constant 0 : index
    %get3A_6 = arith.constant 0 : index
    %get3A_7 = vector.load %arg2[%get3A_4, %get3A_5, %get3A_6] : memref<2x1000x128xf32, #tpu.memory_space<vmem>>, vector<1x1000x128xf32>
    %get3A_8 = vector.shape_cast %get3A_7 : vector<1x1000x128xf32> to vector<1000x128xf32>
    %add3A = arith.addf %get3A_3, %get3A_8 : vector<1000x128xf32>
    %get3A_9 = arith.constant 0 : index
    %get3A_10 = arith.constant 0 : index
    %get3A_11 = vector.load %arg3[%get3A_9, %get3A_10] : memref<128x128xf32, #tpu.memory_space<vmem>>, vector<128x128xf32>
    %dot_general3A = arith.constant dense<0.000000e+00> : vector<1000x128xf32>
    %dot_general3A_12 = tpu.matmul %add3A, %get3A_11, %dot_general3A {dimension_numbers = #tpu.dot_dimension_numbers<[1], [0], [0], [1], [0, 0, 1, 1], [], []>, transpose_lhs_hint = false} : vector<1000x128xf32>, vector<128x128xf32>, vector<1000x128xf32> -> vector<1000x128xf32>
    %get3A_13 = arith.constant 0 : index
    %get3A_14 = arith.constant 0 : index
    %get3A_15 = vector.load %arg1[%get3A_13, %get3A_14] : memref<1000x128xf32, #tpu.memory_space<vmem>>, vector<1000x128xf32>
    %get3A_16 = arith.constant 0 : index
    %get3A_17 = arith.constant 0 : index
    %get3A_18 = vector.load %arg4[%get3A_16, %get3A_17] : memref<128x128xf32, #tpu.memory_space<vmem>>, vector<128x128xf32>
    %dot_general3A_19 = arith.constant dense<0.000000e+00> : vector<1000x128xf32>
    %dot_general3A_20 = tpu.matmul %get3A_15, %get3A_18, %dot_general3A_19 {dimension_numbers = #tpu.dot_dimension_numbers<[1], [0], [0], [1], [0, 0, 1, 1], [], []>, transpose_lhs_hint = false} : vector<1000x128xf32>, vector<128x128xf32>, vector<1000x128xf32> -> vector<1000x128xf32>
    %add3A_21 = arith.addf %dot_general3A_12, %dot_general3A_20 : vector<1000x128xf32>
    %get3A_22 = arith.constant 0 : index
    %get3A_23 = arith.constant 0 : index
    %get3A_24 = vector.load %arg5[%get3A_22, %get3A_23] : memref<1x128xf32, #tpu.memory_space<vmem>>, vector<1x128xf32>
    %add3A_25 = vector.broadcast %get3A_24 : vector<1x128xf32> to vector<1000x128xf32>
    %add3A_26 = arith.addf %add3A_21, %add3A_25 : vector<1000x128xf32>
    %max3A = arith.constant 0.000000e+00 : f32
    %max3A_27 = vector.broadcast %max3A : f32 to vector<1000x128xf32>
    %max3A_28 = arith.maximumf %add3A_26, %max3A_27 : vector<1000x128xf32>
    %get3A_29 = arith.constant 0 : index
    %get3A_30 = arith.constant 0 : index
    %get3A_31 = vector.load %arg6[%get3A_29, %get3A_30] : memref<128x128xf32, #tpu.memory_space<vmem>>, vector<128x128xf32>
    %dot_general3A_32 = arith.constant dense<0.000000e+00> : vector<1000x128xf32>
    %dot_general3A_33 = tpu.matmul %max3A_28, %get3A_31, %dot_general3A_32 {dimension_numbers = #tpu.dot_dimension_numbers<[1], [0], [0], [1], [0, 0, 1, 1], [], []>, transpose_lhs_hint = false} : vector<1000x128xf32>, vector<128x128xf32>, vector<1000x128xf32> -> vector<1000x128xf32>
    %get3A_34 = arith.constant 0 : index
    %get3A_35 = arith.constant 0 : index
    %get3A_36 = vector.load %arg7[%get3A_34, %get3A_35] : memref<1x128xf32, #tpu.memory_space<vmem>>, vector<1x128xf32>
    %add3A_37 = vector.broadcast %get3A_36 : vector<1x128xf32> to vector<1000x128xf32>
    %add3A_38 = arith.addf %dot_general3A_33, %add3A_37 : vector<1000x128xf32>
    %swap3A = arith.constant 0 : index
    %swap3A_39 = arith.constant 0 : index
    %swap3A_40 = vector.load %arg8[%swap3A, %swap3A_39] : memref<1000x128xf32, #tpu.memory_space<vmem>>, vector<1000x128xf32>
    tpu.vector_store %arg8[%swap3A, %swap3A_39], %add3A_38 {strides = array<i32>} : memref<1000x128xf32, #tpu.memory_space<vmem>>, vector<1000x128xf32>,
    return
  }
  func.func @transform_0(%arg0: i32) -> (i32, i32) {
    %c0_i32 = arith.constant 0 : i32
    %c0_i32_0 = arith.constant 0 : i32
    return %arg0, %c0_i32 : i32, i32
  }
  func.func @transform_1(%arg0: i32) -> (i32, i32, i32) {
    %c0_i32 = arith.constant 0 : i32
    %c0_i32_0 = arith.constant 0 : i32
    %c0_i32_1 = arith.constant 0 : i32
    return %c0_i32, %arg0, %c0_i32_0 : i32, i32, i32
  }
  func.func @transform_2(%arg0: i32) -> (i32, i32) {
    %c0_i32 = arith.constant 0 : i32
    %c0_i32_0 = arith.constant 0 : i32
    %c0_i32_1 = arith.constant 0 : i32
    return %c0_i32, %c0_i32_0 : i32, i32
  }
  func.func @transform_3(%arg0: i32) -> (i32, i32) {
    %c0_i32 = arith.constant 0 : i32
    %c0_i32_0 = arith.constant 0 : i32
    %c0_i32_1 = arith.constant 0 : i32
    return %c0_i32, %c0_i32_0 : i32, i32
  }
  func.func @transform_4(%arg0: i32) -> (i32, i32) {
    %c0_i32 = arith.constant 0 : i32
    %c0_i32_0 = arith.constant 0 : i32
    %c0_i32_1 = arith.constant 0 : i32
    return %c0_i32, %c0_i32_0 : i32, i32
  }
  func.func @transform_5(%arg0: i32) -> (i32, i32) {
    %c0_i32 = arith.constant 0 : i32
    %c0_i32_0 = arith.constant 0 : i32
    %c0_i32_1 = arith.constant 0 : i32
    return %c0_i32, %c0_i32_0 : i32, i32
  }
  func.func @transform_6(%arg0: i32) -> (i32, i32) {
    %c0_i32 = arith.constant 0 : i32
    %c0_i32_0 = arith.constant 0 : i32
    %c0_i32_1 = arith.constant 0 : i32
    return %c0_i32, %c0_i32_0 : i32, i32
  }
  func.func @transform_7(%arg0: i32) -> (i32, i32) {
    %c0_i32 = arith.constant 0 : i32
    %c0_i32_0 = arith.constant 0 : i32
    return %arg0, %c0_i32 : i32, i32
  }
}

</mosaic_0001>

<sc_bundles>
// kernel: kernel.4.cloned.1.call-start
scs
__scs_entry_jumppad:
0x0: {  	(pc) =	sbr.rel $0x88, $3  }
0x1: {  	(tag) =	ssettag $0x0;
	lr =	simm.s32 $0x1  }
0x2: {  	[smem:$0x3F9B] =	sst lr;
	_ =	strace $0xD0000000  }
0x3: {  	_ = 	snop  }
0x4: {  	_ = 	snop  }
0x5: {  	_ = 	snop  }
0x6: {  	_ = 	snop  }
0x7: {  	_ = 	snop  }
__scs_overlays_trampoline_lowered:
0x8: {  	[smem:$0x3FAA] =	sst s0  }
0x9: {  	[smem:$0x3FAB] =	sst s1  }
0xa: {  	[smem:$0x3FAC] =	sst s2  }
0xb: {  	[smem:$0x3FAD] =	sst s3  }
0xc: {  	[smem:$0x3FAE] =	sst s4  }
0xd: {  	[smem:$0x3FAF] =	sst s5  }
0xe: {  	[smem:$0x3FB0] =	sst s6  }
0xf: {  	[smem:$0x3FB1] =	sst s7  }
0x10: {  	[smem:$0x3FB2] =	sst s8  }
0x11: {  	[smem:$0x3FB3] =	sst s9;
	s0 =	simm.s32 @!p0 $0x0  }
0x12: {  	s1 =	sld [smem:$0x3F99];
	s0 =	simm.s32 @p0 $0x1  }
0x13: {  	[smem:$0x3FB4] =	sst s0;
	s0 =	simm.s32 @!p1 $0x0  }
0x14: {  	s2 =	sld [smem:$0x3F98];
	s0 =	simm.s32 @p1 $0x1  }
0x15: {  	[smem:$0x3FB5] =	sst s0;
	s0 =	simm.s32 @!p2 $0x0  }
0x16: {  	s3 =	sld [smem:$0x3FDB];
	s0 =	simm.s32 @p2 $0x1  }
0x17: {  	s4 =	simm.s32 $0x1BF5;
	[smem:$0x3FB7] =	sst s0  }
0x18: {  	s0 =	sld [smem:$0x3F9A];
	_ =	swait.ge [sflag:s4], $0x0  }
0x19: {  	s7 =	sld [smem:$0x3F9B]  }
0x1a: {  	s8 =	sadd.s32 $0xFFFFE003, lr  }
0x1b: {  	s9 =	sadd.s32 $0xFFFFFEF7, lr;
	s5 =	simm.s32 $0xFFFFFFFF;
	p2 =	slt.u32 s8, $0xFFFFF086  }
0x1c: {  	p1 =	slt.u32 s9, $0xF7A;
	s5 =	simm.s32 @!p2 $0x0  }
0x1d: {  	s5 =	simm.s32 @p1 $0x1;
	p0 =	seq.s32 s7, s2  }
0x1e: {  	s7 =	smul.u32 @!p0 $0xF7A, s2;
	p2 =	seq.s32 @!p0 s5, $0x0  }
0x1f: {  	s9 =	smul.u32 $0xF7A, s1;
	s8 =	simm.s32 @!p0 $0x1BF5;
	p2 =	por !p2, p0  }
0x20: {  	[sflag:s8] =	ssyncset.s32 @!p0 $0xFFFFF086;
	s6 =	sadd.s32 @!p0 s3, s7;
	s7 =	simm.s32 @!p0 $0x108  }
0x21: {  	s3 =	sadd.s32 s3, s9;
	s6 =	sadd.s32 @!p0 $0x88, s6;
	s7 =	simm.s32 @p2 $0x1082  }
0x22: {  	[simem:s7], [sflag:s8] =	dma.local @!p0 [hbm:s6], $0xF7A  }
0x23: {  	s9 =	sor.u32 $0xD0000000, s2;
	s6 =	simm.s32 $0x108;
	_ =	swait.ge @!p0 [sflag:s8], $0x0  }
0x24: {  	s3 =	sadd.s32 $0x88, s3;
	s6 =	simm.s32 @!p1 $0x1082;
	[sflag:s4] =	ssyncset.s32 $0xFFFFF086  }
0x25: {  	[simem:s6], [sflag:s4] =	dma.local [hbm:s3], $0xF7A  }
0x26: {  	[smem:$0x3F9B] =	sst s1;
	(tag) =	ssettag s2;
	_ =	strace s9  }
0x27: {  	s1 =	sld [smem:$0x3FAB]  }
0x28: {  	s2 =	sld [smem:$0x3FAC]  }
0x29: {  	s4 =	sld [smem:$0x3FAE]  }
0x2a: {  	p0 =	seq.s32 s5, $0x0;
	s5 =	sld [smem:$0x3FAF]  }
0x2b: {  	s6 =	sld [smem:$0x3FB0]  }
0x2c: {  	s7 =	sld [smem:$0x3FB1]  }
0x2d: {  	s3 =	simm.s32 $0x108;
	s8 =	sld [smem:$0x3FB2]  }
0x2e: {  	s3 =	simm.s32 @!p0 $0x1082;
	s9 =	sld [smem:$0x3FB3]  }
0x2f: {  	lr =	sadd.s32 s0, s3;
	s0 =	sld [smem:$0x3FAA]  }
0x30: {  	s3 =	sld [smem:$0x3FAD]  }
0x31: {  	[smem:$0x3FB6] =	sst s10  }
0x32: {  	s10 =	sld [smem:$0x3FB4];
	_ =	sdelay $0x3  }
0x33: {  	p0 =	seq.s32 s10, $0x1;
	s10 =	sld [smem:$0x3FB6];
	_ =	sdelay $0x3  }
0x34: {  	[smem:$0x3FB6] =	sst s10  }
0x35: {  	s10 =	sld [smem:$0x3FB5];
	_ =	sdelay $0x3  }
0x36: {  	p1 =	seq.s32 s10, $0x1;
	s10 =	sld [smem:$0x3FB6];
	_ =	sdelay $0x3  }
0x37: {  	[smem:$0x3FB6] =	sst s10  }
0x38: {  	s10 =	sld [smem:$0x3FB7]  }
0x39: {  	_ = 	snop;
	(pc) =	sbr.ind lr, $3  }
0x3a: {  	_ = 	snop  }
0x3b: {  	_ = 	snop  }
0x3c: {  	p2 =	seq.s32 s10, $0x1;
	s10 =	sld [smem:$0x3FB6]  }
0x3d: {  	_ =	shalt  }
0x3e: {  	_ =	shalt  }
0x3f: {  	_ =	shalt  }
0x40: {  	_ =	shalt  }
0x41: {  	_ =	shalt  }
0x42: {  	_ =	shalt  }
0x43: {  	_ =	shalt  }
0x44: {  	_ =	shalt  }
0x45: {  	_ =	shalt  }
0x46: {  	_ =	shalt  }
0x47: {  	_ =	shalt  }
0x48: {  	_ =	shalt  }
0x49: {  	_ =	shalt  }
0x4a: {  	_ =	shalt  }
0x4b: {  	_ =	shalt  }
0x4c: {  	_ =	shalt  }
0x4d: {  	_ =	shalt  }
0x4e: {  	_ =	shalt  }
0x4f: {  	_ =	shalt  }
0x50: {  	_ =	shalt  }
0x51: {  	_ =	shalt  }
0x52: {  	_ =	shalt  }
0x53: {  	_ =	shalt  }
0x54: {  	_ =	shalt  }
0x55: {  	_ =	shalt  }
0x56: {  	_ =	shalt  }
0x57: {  	_ =	shalt  }
0x58: {  	_ =	shalt  }
0x59: {  	_ =	shalt  }
0x5a: {  	_ =	shalt  }
0x5b: {  	_ =	shalt  }
0x5c: {  	_ =	shalt  }
0x5d: {  	_ =	shalt  }
0x5e: {  	_ =	shalt  }
0x5f: {  	_ =	shalt  }
0x60: {  	_ =	shalt  }
0x61: {  	_ =	shalt  }
0x62: {  	_ =	shalt  }
0x63: {  	_ =	shalt  }
0x64: {  	_ =	shalt  }
0x65: {  	_ =	shalt  }
0x66: {  	_ =	shalt  }
0x67: {  	_ =	shalt  }
0x68: {  	_ =	shalt  }
0x69: {  	_ =	shalt  }
0x6a: {  	_ =	shalt  }
0x6b: {  	_ =	shalt  }
0x6c: {  	_ =	shalt  }
0x6d: {  	_ =	shalt  }
0x6e: {  	_ =	shalt  }
0x6f: {  	_ =	shalt  }
0x70: {  	_ =	shalt  }
0x71: {  	_ =	shalt  }
0x72: {  	_ =	shalt  }
0x73: {  	_ =	shalt  }
0x74: {  	_ =	shalt  }
0x75: {  	_ =	shalt  }
0x76: {  	_ =	shalt  }
0x77: {  	_ =	shalt  }
0x78: {  	_ =	shalt  }
0x79: {  	_ =	shalt  }
0x7a: {  	_ =	shalt  }
0x7b: {  	_ =	shalt  }
0x7c: {  	_ =	shalt  }
0x7d: {  	_ =	shalt  }
0x7e: {  	_ =	shalt  }
0x7f: {  	_ =	shalt  }
0x80: {  	_ =	shalt  }
0x81: {  	_ =	shalt  }
0x82: {  	_ =	shalt  }
0x83: {  	_ =	shalt  }
0x84: {  	_ =	shalt  }
0x85: {  	_ =	shalt  }
0x86: {  	_ =	shalt  }
0x87: {  	_ =	shalt  }
.Lfunc_end0:
.L_simem_size_0:
called_computation_lowered:
.L_overlay_start_0:
0x88: {  	s2 =	sld [smem:$0x3FD9]  }
0x89: {  	s3 =	sld [smem:$0x3FFE];
	_ =	sdelay $0x1  }
0x8a: {  	s1 =	srdreg.scid  }
0x8b: {  	s0 =	sand.u32 $0x1, s1  }
0x8c: {  	s17 =	sshll.u32 s0, $0xA;
	s2 =	sadd.s32 s3, s2  }
0x8d: {  	s2 =	sadd.s32 s2, s17  }
0x8e: {  	[smem:$0x3FC2] =	sst s2  }
0x8f: {  	_ = 	snop  }
0x90: {  	s2 =	sld [smem:$0x3FC9]  }
0x91: {  	s18 =	sld [smem:$0x3FD0];
	(tm) =	ssettm $0x1  }
0x92: {  	s4 =	sld [smem:$0x3FFB];
	_ =	sdelay $0x3  }
0x93: {  	_ =	strace s4  }
0x94: {  	s4 =	sld [smem:$0x3FFC];
	_ =	sdelay $0x3  }
0x95: {  	_ =	strace s4  }
0x96: {  	s4 =	sld [smem:$0x3FFD];
	_ =	sdelay $0x3  }
0x97: {  	_ =	strace s4  }
0x98: {  	_ =	strace $0x8FFFFFFF  }
0x99: {  	s19 =	sld [smem:$0x3FDB];
	_ =	sdelay $0x1  }
0x9a: {  	s5 =	simm.s32 $_scs_section_size  }
0x9b: {  	s6 =	simm.s32 $_size__tile_overlayer_lowered;
	s7 =	simm.s32 $_tile_overlayer_lowered  }
0x9c: {  	s22 =	simm.s32 $0x1BFF;
	s21 =	sshll.u32 s7, $0x1;
	s4 =	sadd.s32 s5, s19  }
0x9d: {  	s8 =	simm.s32 $0x0;
	s20 =	sshll.u32 s6, $0x1;
	s6 =	sadd.s32 s21, s4  }
0x9e: {  	[timem:s8], [sflag:s22] =	dma.local [hbm:s6], s20  }
0x9f: {  	_ =	swait.ge [sflag:s22], s20  }
0xa0: {  	s5 =	ssub.s32 $0x0, s20;
	[sflag:s22] =	ssyncset.done $0x0  }
0xa1: {  	[sflag:s22] =	ssyncadd.s32 s5;
	_ =	sdelay $0x1  }
0xa2: {  	s23 =	simm.s32 $0x1B8B  }
0xa3: {  	_ =	swait.ge [sflag:s23], $0x1  }
0xa4: {  	[sflag:s23] =	ssyncset.done $0x0  }
0xa5: {  	s25 =	simm.s32 $0x1B8E;
	s24 =	sld [smem:$0x3FFE];
	[sflag:s23] =	ssyncadd.s32 $0xFFFFFFFF  }
0xa6: {  	s26 =	simm.s32 $execute0_lowered;
	[smem:$0x3FD2] =	sst s25  }
0xa7: {  	s6 =	sshll.u32 s26, $0x1;
	_ =	strace $0x80000046;
	[dreg:$0x1] =	wrdreg $0xFFFFFFFF  }
0xa8: {  	s28 =	simm.s32 $_size_execute0_lowered;
	s4 =	sadd.s32 s4, s6;
	[dreg:$0x0] =	wrdreg $0x0  }
0xa9: {  	s6 =	sshll.u32 s28, $0x1;
	[dreg:$0x2] =	wrdreg s4  }
0xaa: {  	[dreg:$0x3] =	wrdreg s6  }
0xab: {  	[dreg:$0x4] =	wrdreg $0xC0  }
0xac: {  	_ =	task [dreg:s8], $0x5FFFF  }
0xad: {  	[dreg:$0x1] =	wrdreg $0xFFFFFFFF  }
0xae: {  	[dreg:$0x0] =	wrdreg $0x60  }
0xaf: {  	[dreg:$0x2] =	wrdreg s2  }
0xb0: {  	[dreg:$0x3] =	wrdreg s24  }
0xb1: {  	[dreg:$0x4] =	wrdreg s18  }
0xb2: {  	[dreg:$0x5] =	wrdreg $0x0  }
0xb3: {  	[dreg:$0x6] =	wrdreg $0x9  }
0xb4: {  	_ =	task.clear_ibuf [dreg:s8], $0x7FFFF;
	_ =	strace $0x90000046  }
0xb5: {  	s29 =	simm.s32 $0x9;
	_ =	strace $0x80000048  }
0xb6: {  	_ =	swait.ge [sflag:s29], $0x1  }
0xb7: {  	[sflag:s29] =	ssyncadd.s32 $0xFFFFFFFF  }
0xb8: {  	_ =	strace $0x90000048  }
0xb9: {  	_ =	sfence  }
0xba: {  	s30 =	sld [smem:$0x0];
	_ =	sdelay $0x2  }
0xbb: {  	s31 =	sshll.u32 s1, $0xD;
	s1 =	sshrl.u32 s1, $0x2  }
0xbc: {  	s3 =	sand.u32 $0x4000, s31;
	s1 =	sadd.s32 s1, s30  }
0xbd: {  	s0 =	sor.u32 s3, s0;
	s1 =	sshll.u32 s1, $0x11  }
0xbe: {  	s0 =	sor.u32 s1, s0  }
0xbf: {  	s0 =	sadd.s32 $0x8F2B, s0  }
0xc0: {  	[sflag:s0] =	ssyncadd.remote.s32 $0x1  }
0xc1: {  	_ =	sfence.sel $0xFFFF  }
0xc2: {  	[dreg:$0x0] =	wrdreg $0xFFFFFFFF;
	(pc) =	sbr.abs _section_cstart, $3  }
0xc3: {  	[dreg:$0x1] =	wrdreg $0xFFFFFFFF  }
0xc4: {  	_ =	task.clear_ibuf [dreg:s8], $0x2FFFF;
	_ =	strace $0x9FFFFFFF  }
0xc5: {  	(tm) =	ssettm $0x7FFFFFFF  }
tec
execute0_lowered:
.L_overlay_start_1:
0x0: {  	(tag) =	ssettag $0x1  }
0x1: {  	s1 =	rddreg [dreg:$0x0]  }
0x2: {  	s5 =	rddreg [dreg:$0x1]  }
0x3: {  	s0 =	srdreg.scid;
	s6 =	rddreg [dreg:$0x2]  }
0x4: {  	s11 =	stileid.u32;
	s3 =	rddreg [dreg:$0x3]  }
0x5: {  	s28 =	simm.s32 $0x14000;
	s29 =	simm.s32 $0x3;
	s31 =	simm.s32 $0x1  }
0x6: {  	s30 =	simm.s32 $0x0;
	s0 =	sand.u32 $0x1, s0;
	s10 =	smul.u32 $0x50000, s11  }
0x7: {  	s8 =	sshll.u32 s11, $0x7;
	s15 =	smul.u32 $0x14000, s11;
	s2 =	sshll.u32 s0, $0x4  }
0x8: {  	s8 =	sand.u32 $0x380, s8;
	s22 =	ssub.s32 $0x2, s0;
	s0 =	smul.u32 $0x140000, s0  }
0x9: {  	s2 =	sor.u32 s11, s2;
	s9 =	sshrl.u32 s22, $0x1;
	s23 =	sshrl.u32 s10, $0x2  }
0xa: {  	s25 =	sor.u32 $0x2800, s15;
	s26 =	sadd.s32 $0x5000, s15;
	s18 =	sadd.s32 $0x7800, s15  }
0xb: {  	s19 =	sadd.s32 $0xA000, s15;
	s21 =	sadd.s32 $0xC800, s15;
	s4 =	sshrl.u32 s2, $0x3  }
0xc: {  	s2 =	sshll.u32 s2, $0xB;
	s10 =	sadd.s32 s26, s3;
	s11 =	sadd.s32 s18, s3  }
0xd: {  	s12 =	sadd.s32 s19, s3;
	s13 =	sadd.s32 s21, s3;
	s16 =	sadd.s32 s0, s15  }
0xe: {  	s20 =	sadd.s32 s0, s18;
	s7 =	smul.u32 $0x13C00, s4;
	s4 =	simm.s32 $0x0  }
0xf: {  	s2 =	sadd.s32 s6, s2;
	s16 =	sshrl.u32 s16, $0x3;
	[smem:$0x7FF] =	sst s4  }
0x10: {  	s6 =	sshrl.u32 s20, $0x3;
	s7 =	sor.u32 s8, s7;
	_ =	strace $0x80000047  }
0x11: {  	s8 =	ssub.s32 s22, s9;
	[dreg:$0x6] =	wrdreg s2;
	s9 =	sadd.s32 s25, s3  }
0x12: {  	s22 =	sadd.s32 $0xF000, s15;
	s2 =	sadd.s32 s0, s25;
	s25 =	sadd.s32 s0, s21  }
0x13: {  	s7 =	sshrl.u32 s7, $0x3;
	s24 =	smax.u32 s8, $0x1;
	s14 =	sadd.s32 s22, s3  }
0x14: {  	s2 =	sshrl.u32 s2, $0x3;
	s8 =	sadd.s32 s0, s26;
	s26 =	sadd.s32 s0, s22  }
0x15: {  	s7 =	sadd.s32 s7, s5;
	s5 =	sadd.s32 $0xAE00, s5;
	[dreg:$0x7] =	wrdreg s24  }
0x16: {  	s24 =	sadd.s32 s0, s19;
	s7 =	sadd.s32 $0x1000, s7;
	s16 =	sadd.s32 s5, s16  }
0x17: {  	s17 =	sadd.s32 s5, s2;
	s2 =	sshrl.u32 s8, $0x3;
	s20 =	sshrl.u32 s24, $0x3  }
0x18: {  	s19 =	sadd.s32 s5, s6;
	s6 =	sshrl.u32 s26, $0x3;
	s24 =	simm.s32 $0x1A780  }
0x19: {  	[dreg:$0x5] =	wrdreg s7;
	s7 =	sadd.s32 s23, s3;
	s23 =	sadd.s32 $0x11800, s15  }
0x1a: {  	s18 =	sadd.s32 s5, s2;
	s20 =	sadd.s32 s5, s20;
	s2 =	sshrl.u32 s25, $0x3  }
0x1b: {  	s22 =	sadd.s32 s5, s6;
	s25 =	simm.s32 $0x2;
	s0 =	sadd.s32 s0, s23  }
0x1c: {  	s15 =	sadd.s32 s23, s3;
	s21 =	sadd.s32 s5, s2;
	s0 =	sshrl.u32 s0, $0x3  }
0x1d: {  	v0 =	vimm.f32 $0.0e+00;
	s2 =	simm.s32 $0x50;
	s23 =	sadd.s32 s5, s0;
	s0 =	simm.s32 $0x1CF80  }
.LBB2_1:
0x1e: {  	s5 =	sand.u32 $0xFE00, s4  }
0x1f: {  	s6 =	sand.u32 $0x70, s4;
	s26 =	sshrl.u32 s5, $0x2  }
0x20: {  	s5 =	simm.s32 $0x40;
	s6 =	sor.u32 s6, s26;
	s26 =	simm.s32 $0x0  }
.LBB2_2:
0x21: {  	p0 =	sne.s32 s5, $0x9FC0  }
0x22: {  	[tilespmem:s6+$0x1A780] =	vst v0;
	s26 =	sadd.s32 $0x10, s26;
	s6 =	smov.u32 s5;
	s5 =	sadd.s32 $0x40, s5  }
.Ltmp0:
0x23: {  	(pc) =	sbr.rel @p0 .LBB2_2-.Ltmp0, $4  }
0x24: {  	_ = 	snop  }
0x25: {  	s6 =	sand.u32 $0xFE00, s6  }
0x26: {  	s8 =	sand.u32 $0x70, s26;
	s6 =	sshrl.u32 s6, $0x2  }
0x27: {  	s6 =	sor.u32 s8, s6  }
0x28: {  	[tilespmem:s6+$0x1A780] =	vst v0  }
0x29: {  	[spmem:s7] =	stream.linear.scatter [tilespmem:s24], [sflag:$0x1], $0x2800, $0x38;
	[tilespmem:$0x1F780] =	vst v63  }
0x2a: {  	_ = 	snop  }
0x2b: {  	[spmem:s9] =	stream.linear.scatter [tilespmem:s24], [sflag:$0x1], $0x2800, $0x38;
	[tilespmem:$0x1F780] =	vst v63  }
0x2c: {  	_ = 	snop  }
0x2d: {  	[spmem:s10] =	stream.linear.scatter [tilespmem:s24], [sflag:$0x1], $0x2800, $0x38;
	[tilespmem:$0x1F780] =	vst v63  }
0x2e: {  	_ = 	snop  }
0x2f: {  	[spmem:s11] =	stream.linear.scatter [tilespmem:s24], [sflag:$0x1], $0x2800, $0x38;
	[tilespmem:$0x1F780] =	vst v63  }
0x30: {  	_ = 	snop  }
0x31: {  	[spmem:s12] =	stream.linear.scatter [tilespmem:s24], [sflag:$0x1], $0x2800, $0x38;
	[tilespmem:$0x1F780] =	vst v63  }
0x32: {  	_ = 	snop  }
0x33: {  	[spmem:s13] =	stream.linear.scatter [tilespmem:s24], [sflag:$0x1], $0x2800, $0x38;
	[tilespmem:$0x1F780] =	vst v63  }
0x34: {  	_ = 	snop  }
0x35: {  	[spmem:s14] =	stream.linear.scatter [tilespmem:s24], [sflag:$0x1], $0x2800, $0x38;
	[tilespmem:$0x1F780] =	vst v63  }
0x36: {  	_ = 	snop  }
0x37: {  	[spmem:s15] =	stream.linear.scatter [tilespmem:s24], [sflag:$0x1], $0x2800, $0x38;
	[tilespmem:$0x1F780] =	vst v63  }
0x38: {  	s5 =	rddreg [dreg:$0x5];
	s26 =	simm.s32 $0x80;
	s8 =	simm.s32 $0x400  }
0x39: {  	[tilespmem:s28], [sflag:$0x3] =	stream.strided.gather [hbm4b:s5+s26], $0x2780, s8, s26, $0x38;
	[tilespmem:$0x1F780] =	vst v63  }
0x3a: {  	_ =	swait.ge [sflag:s29], $0x2780  }
0x3b: {  	s6 =	simm.s32 $0x0;
	[sflag:s29] =	ssyncset.done $0x0  }
0x3c: {  	s26 =	simm.s32 $0x16780;
	s8 =	rddreg [dreg:$0x6];
	[sflag:s29] =	ssyncadd.s32 $0xFFFFD880  }
0x3d: {  	[tilespmem:s26], [sflag:$0x3] =	stream.linear.gather [hbm4b:s8+s6], $0x3E80, $0x38;
	[tilespmem:$0x1F780] =	vst v63  }
0x3e: {  	_ =	swait.ge [sflag:s29], $0x3E80  }
0x3f: {  	[sflag:s29] =	ssyncset.done $0x0  }
0x40: {  	[sflag:s29] =	ssyncadd.s32 $0xFFFFC180  }
0x41: {  	_ =	swait.ge [sflag:s31], $0x2800  }
0x42: {  	[sflag:s31] =	ssyncset.done $0x0  }
0x43: {  	[sflag:s31] =	ssyncadd.s32 $0xFFFFD800  }
0x44: {  	_ =	swait.ge [sflag:s31], $0x2800  }
0x45: {  	[sflag:s31] =	ssyncset.done $0x0  }
0x46: {  	[sflag:s31] =	ssyncadd.s32 $0xFFFFD800  }
0x47: {  	_ =	swait.ge [sflag:s31], $0x2800  }
0x48: {  	[sflag:s31] =	ssyncset.done $0x0  }
0x49: {  	[sflag:s31] =	ssyncadd.s32 $0xFFFFD800  }
0x4a: {  	_ =	swait.ge [sflag:s31], $0x2800  }
0x4b: {  	[sflag:s31] =	ssyncset.done $0x0  }
0x4c: {  	[sflag:s31] =	ssyncadd.s32 $0xFFFFD800  }
0x4d: {  	_ =	swait.ge [sflag:s31], $0x2800  }
0x4e: {  	[sflag:s31] =	ssyncset.done $0x0  }
0x4f: {  	[sflag:s31] =	ssyncadd.s32 $0xFFFFD800  }
0x50: {  	_ =	swait.ge [sflag:s31], $0x2800  }
0x51: {  	[sflag:s31] =	ssyncset.done $0x0  }
0x52: {  	[sflag:s31] =	ssyncadd.s32 $0xFFFFD800  }
0x53: {  	_ =	swait.ge [sflag:s31], $0x2800  }
0x54: {  	[sflag:s31] =	ssyncset.done $0x0  }
0x55: {  	[sflag:s31] =	ssyncadd.s32 $0xFFFFD800  }
0x56: {  	_ =	swait.ge [sflag:s31], $0x2800  }
0x57: {  	[sflag:s31] =	ssyncset.done $0x0  }
0x58: {  	[sflag:s31] =	ssyncadd.s32 $0xFFFFD800  }
0x59: {  	[bflag:$0x0] =	sbarrier.arrive $0xFFFF  }
0x5a: {  	[tilespmem:s24], [sflag:$0x1] =	stream.indirect.gather [hbm4b:s1+s2], $0x80, s28, s2, $0xb8;
	[tilespmem:$0x1F780] =	vst v63  }
0x5b: {  	_ =	swait.ge [sflag:s31], $0x2800  }
0x5c: {  	[sflag:s31] =	ssyncset.done $0x0  }
0x5d: {  	s26 =	simm.s32 $0x14050;
	[sflag:s31] =	ssyncadd.s32 $0xFFFFD800  }
0x5e: {  	[tilespmem:s0], [sflag:$0x2] =	stream.indirect.gather [hbm4b:s1+s2], $0x80, s26, s2, $0xb8;
	[tilespmem:$0x1F780] =	vst v63  }
0x5f: {  	s6 =	simm.s32 $0x16780  }
0x60: {  	[spmem:s3] =	stream.indirect.scatter.add.f32 [tilespmem:s24], [sflag:$0x3], $0x80, s6, s2, $0xb8;
	[tilespmem:$0x1F780] =	vst v63  }
0x61: {  	_ =	swait.ge [sflag:s29], $0x2800  }
0x62: {  	[sflag:s29] =	ssyncset.done $0x0  }
0x63: {  	[sflag:s29] =	ssyncadd.s32 $0xFFFFD800  }
0x64: {  	_ =	swait.ge [sflag:s25], $0x2800  }
0x65: {  	[sflag:s25] =	ssyncset.done $0x0  }
0x66: {  	s26 =	simm.s32 $0x140A0;
	[sflag:s25] =	ssyncadd.s32 $0xFFFFD800  }
0x67: {  	[tilespmem:s24], [sflag:$0x1] =	stream.indirect.gather [hbm4b:s1+s2], $0x80, s26, s2, $0xb8;
	[tilespmem:$0x1F780] =	vst v63  }
0x68: {  	s8 =	simm.s32 $0x16800  }
0x69: {  	[spmem:s3] =	stream.indirect.scatter.add.f32 [tilespmem:s0], [sflag:$0x3], $0x80, s8, s2, $0xb8;
	[tilespmem:$0x1F780] =	vst v63  }
0x6a: {  	_ =	swait.ge [sflag:s29], $0x2800  }
0x6b: {  	s5 =	simm.s32 $0x400;
	[sflag:s29] =	ssyncset.done $0x0  }
.LBB2_4:
0x6c: {  	p0 =	sne.s32 s5, $0xF400;
	[sflag:s29] =	ssyncadd.s32 $0xFFFFD800;
	s26 =	sadd.s32 $0xA0, s26  }
0x6d: {  	s6 =	smov.u32 s5;
	s5 =	sadd.s32 $0x400, s5  }
0x6e: {  	_ =	swait.ge [sflag:s31], $0x2800  }
0x6f: {  	[sflag:s31] =	ssyncset.done $0x0  }
0x70: {  	s8 =	sadd.s32 $0xFFFFFFB0, s26;
	s6 =	sshra.s32 s6, $0x2;
	[sflag:s31] =	ssyncadd.s32 $0xFFFFD800  }
0x71: {  	[tilespmem:s0], [sflag:$0x2] =	stream.indirect.gather [hbm4b:s1+s2], $0x80, s8, s2, $0xb8;
	[tilespmem:$0x1F780] =	vst v63  }
0x72: {  	s8 =	sadd.s32 $0x16780, s6  }
0x73: {  	[spmem:s3] =	stream.indirect.scatter.add.f32 [tilespmem:s24], [sflag:$0x3], $0x80, s8, s2, $0xb8;
	[tilespmem:$0x1F780] =	vst v63  }
0x74: {  	_ =	swait.ge [sflag:s29], $0x2800  }
0x75: {  	[sflag:s29] =	ssyncset.done $0x0  }
0x76: {  	[sflag:s29] =	ssyncadd.s32 $0xFFFFD800  }
0x77: {  	_ =	swait.ge [sflag:s25], $0x2800  }
0x78: {  	[sflag:s25] =	ssyncset.done $0x0  }
0x79: {  	[sflag:s25] =	ssyncadd.s32 $0xFFFFD800  }
0x7a: {  	[tilespmem:s24], [sflag:$0x1] =	stream.indirect.gather [hbm4b:s1+s2], $0x80, s26, s2, $0xb8;
	[tilespmem:$0x1F780] =	vst v63  }
.Ltmp1:
0x7b: {  	_ = 	snop;
	(pc) =	sbr.rel @p0 .LBB2_4-.Ltmp1, $4  }
0x7c: {  	s6 =	sadd.s32 $0x16800, s6  }
0x7d: {  	[spmem:s3] =	stream.indirect.scatter.add.f32 [tilespmem:s0], [sflag:$0x3], $0x80, s6, s2, $0xb8;
	[tilespmem:$0x1F780] =	vst v63  }
0x7e: {  	_ =	swait.ge [sflag:s29], $0x2800  }
0x7f: {  	[sflag:s29] =	ssyncset.done $0x0  }
0x80: {  	[sflag:s29] =	ssyncadd.s32 $0xFFFFD800  }
0x81: {  	_ =	swait.ge [sflag:s31], $0x2800  }
0x82: {  	[sflag:s31] =	ssyncset.done $0x0  }
0x83: {  	s5 =	simm.s32 $0x1A580;
	[sflag:s31] =	ssyncadd.s32 $0xFFFFD800  }
0x84: {  	[spmem:s3] =	stream.indirect.scatter.add.f32 [tilespmem:s24], [sflag:$0x3], $0x80, s5, s2, $0xb8;
	[tilespmem:$0x1F780] =	vst v63  }
0x85: {  	_ =	swait.ge [sflag:s29], $0x2800  }
0x86: {  	[sflag:s29] =	ssyncset.done $0x0  }
0x87: {  	[sflag:s29] =	ssyncadd.s32 $0xFFFFD800  }
0x88: {  	[bflag:$0x0] =	sbarrier.arrive $0xFFFF  }
0x89: {  	[tilespmem:s24], [sflag:$0x3] =	stream.linear.gather [spmem:s7], $0x2800, $0x38;
	[tilespmem:$0x1F780] =	vst v63  }
0x8a: {  	_ =	swait.ge [sflag:s29], $0x2800  }
0x8b: {  	[sflag:s29] =	ssyncset.done $0x0  }
0x8c: {  	[sflag:s29] =	ssyncadd.s32 $0xFFFFD800  }
0x8d: {  	[hbm4b:s16+s4] =	stream.linear.scatter [tilespmem:s24], [sflag:$0x3], $0x2800, $0x38;
	[tilespmem:$0x1F780] =	vst v63  }
0x8e: {  	_ =	swait.ge [sflag:s29], $0x2800  }
0x8f: {  	[sflag:s29] =	ssyncset.done $0x0  }
0x90: {  	[sflag:s29] =	ssyncadd.s32 $0xFFFFD800  }
0x91: {  	[tilespmem:s24], [sflag:$0x3] =	stream.linear.gather [spmem:s9], $0x2800, $0x38;
	[tilespmem:$0x1F780] =	vst v63  }
0x92: {  	_ =	swait.ge [sflag:s29], $0x2800  }
0x93: {  	[sflag:s29] =	ssyncset.done $0x0  }
0x94: {  	[sflag:s29] =	ssyncadd.s32 $0xFFFFD800  }
0x95: {  	[hbm4b:s17+s4] =	stream.linear.scatter [tilespmem:s24], [sflag:$0x3], $0x2800, $0x38;
	[tilespmem:$0x1F780] =	vst v63  }
0x96: {  	_ =	swait.ge [sflag:s29], $0x2800  }
0x97: {  	[sflag:s29] =	ssyncset.done $0x0  }
0x98: {  	[sflag:s29] =	ssyncadd.s32 $0xFFFFD800  }
0x99: {  	[tilespmem:s24], [sflag:$0x3] =	stream.linear.gather [spmem:s10], $0x2800, $0x38;
	[tilespmem:$0x1F780] =	vst v63  }
0x9a: {  	_ =	swait.ge [sflag:s29], $0x2800  }
0x9b: {  	[sflag:s29] =	ssyncset.done $0x0  }
0x9c: {  	[sflag:s29] =	ssyncadd.s32 $0xFFFFD800  }
0x9d: {  	[hbm4b:s18+s4] =	stream.linear.scatter [tilespmem:s24], [sflag:$0x3], $0x2800, $0x38;
	[tilespmem:$0x1F780] =	vst v63  }
0x9e: {  	_ =	swait.ge [sflag:s29], $0x2800  }
0x9f: {  	[sflag:s29] =	ssyncset.done $0x0  }
0xa0: {  	[sflag:s29] =	ssyncadd.s32 $0xFFFFD800  }
0xa1: {  	[tilespmem:s24], [sflag:$0x3] =	stream.linear.gather [spmem:s11], $0x2800, $0x38;
	[tilespmem:$0x1F780] =	vst v63  }
0xa2: {  	_ =	swait.ge [sflag:s29], $0x2800  }
0xa3: {  	[sflag:s29] =	ssyncset.done $0x0  }
0xa4: {  	[sflag:s29] =	ssyncadd.s32 $0xFFFFD800  }
0xa5: {  	[hbm4b:s19+s4] =	stream.linear.scatter [tilespmem:s24], [sflag:$0x3], $0x2800, $0x38;
	[tilespmem:$0x1F780] =	vst v63  }
0xa6: {  	_ =	swait.ge [sflag:s29], $0x2800  }
0xa7: {  	[sflag:s29] =	ssyncset.done $0x0  }
0xa8: {  	[sflag:s29] =	ssyncadd.s32 $0xFFFFD800  }
0xa9: {  	[tilespmem:s24], [sflag:$0x3] =	stream.linear.gather [spmem:s12], $0x2800, $0x38;
	[tilespmem:$0x1F780] =	vst v63  }
0xaa: {  	_ =	swait.ge [sflag:s29], $0x2800  }
0xab: {  	[sflag:s29] =	ssyncset.done $0x0  }
0xac: {  	[sflag:s29] =	ssyncadd.s32 $0xFFFFD800  }
0xad: {  	[hbm4b:s20+s4] =	stream.linear.scatter [tilespmem:s24], [sflag:$0x3], $0x2800, $0x38;
	[tilespmem:$0x1F780] =	vst v63  }
0xae: {  	_ =	swait.ge [sflag:s29], $0x2800  }
0xaf: {  	[sflag:s29] =	ssyncset.done $0x0  }
0xb0: {  	[sflag:s29] =	ssyncadd.s32 $0xFFFFD800  }
0xb1: {  	[tilespmem:s24], [sflag:$0x3] =	stream.linear.gather [spmem:s13], $0x2800, $0x38;
	[tilespmem:$0x1F780] =	vst v63  }
0xb2: {  	_ =	swait.ge [sflag:s29], $0x2800  }
0xb3: {  	[sflag:s29] =	ssyncset.done $0x0  }
0xb4: {  	[sflag:s29] =	ssyncadd.s32 $0xFFFFD800  }
0xb5: {  	[hbm4b:s21+s4] =	stream.linear.scatter [tilespmem:s24], [sflag:$0x3], $0x2800, $0x38;
	[tilespmem:$0x1F780] =	vst v63  }
0xb6: {  	_ =	swait.ge [sflag:s29], $0x2800  }
0xb7: {  	[sflag:s29] =	ssyncset.done $0x0  }
0xb8: {  	[sflag:s29] =	ssyncadd.s32 $0xFFFFD800  }
0xb9: {  	[tilespmem:s24], [sflag:$0x3] =	stream.linear.gather [spmem:s14], $0x2800, $0x38;
	[tilespmem:$0x1F780] =	vst v63  }
0xba: {  	_ =	swait.ge [sflag:s29], $0x2800  }
0xbb: {  	[sflag:s29] =	ssyncset.done $0x0  }
0xbc: {  	[sflag:s29] =	ssyncadd.s32 $0xFFFFD800  }
0xbd: {  	[hbm4b:s22+s4] =	stream.linear.scatter [tilespmem:s24], [sflag:$0x3], $0x2800, $0x38;
	[tilespmem:$0x1F780] =	vst v63  }
0xbe: {  	_ =	swait.ge [sflag:s29], $0x2800  }
0xbf: {  	[sflag:s29] =	ssyncset.done $0x0  }
0xc0: {  	[sflag:s29] =	ssyncadd.s32 $0xFFFFD800  }
0xc1: {  	[tilespmem:s24], [sflag:$0x3] =	stream.linear.gather [spmem:s15], $0x2800, $0x38;
	[tilespmem:$0x1F780] =	vst v63  }
0xc2: {  	_ =	swait.ge [sflag:s29], $0x2800  }
0xc3: {  	[sflag:s29] =	ssyncset.done $0x0  }
0xc4: {  	[sflag:s29] =	ssyncadd.s32 $0xFFFFD800  }
0xc5: {  	[hbm4b:s23+s4] =	stream.linear.scatter [tilespmem:s24], [sflag:$0x3], $0x2800, $0x38;
	[tilespmem:$0x1F780] =	vst v63  }
0xc6: {  	_ =	swait.ge [sflag:s29], $0x2800  }
0xc7: {  	s30 =	sadd.s32 $0x1, s30;
	s26 =	rddreg [dreg:$0x7]  }
0xc8: {  	p0 =	sne.s32 s30, s26  }
.Ltmp2:
0xc9: {  	_ = 	snop;
	(pc) =	sbr.rel @p0 .LBB2_1-.Ltmp2, $3  }
0xca: {  	_ =	sdelay $0x1  }
0xcb: {  	[sflag:s29] =	ssyncset.done $0x0  }
0xcc: {  	[sflag:s29] =	ssyncadd.s32 $0xFFFFD800  }
0xcd: {  	_ =	sfence.sel $0x180000  }
0xce: {  	[bflag:$0x0] =	sbarrier.arrive $0xFFFF  }
0xcf: {  	_ =	strace $0x90000047  }
0xd0: {  	s0 =	stileid.u32;
	[bflag:$0x2] =	sbarrier.arrive $0xFFFF  }
0xd1: {  	p0 =	sne.s32 s0, $0x0;
	s0 =	rddreg [dreg:$0x4]  }
0xd2: {  	s0 =	sadd.s32 @!p0 $0x100000, s0  }
0xd3: {  	[sflag:s0] =	ssyncadd.tile.s32 @!p0 $0x1;
	_ =	shalt  }
.Lfunc_end2:
_tile_overlayer_lowered:
.L_overlay_start_2:
0xd4: {  	(tag) =	ssettag $0x2  }
0xd5: {  	s0 =	rddreg [dreg:$0x0];
	s2 =	stileid.u32  }
0xd6: {  	s1 =	rddreg [dreg:$0x1];
	p0 =	sne.s32 s2, $0x0  }
0xd7: {  	s3 =	rddreg [dreg:$0x2];
	[bflag:$0x3] =	sbarrier.arrive $0xFFFF;
	s2 =	simm.s32 @!p0 $0x1C03  }
0xd8: {  	[timem:s3], [sflag:s2] =	dma.local @!p0 [hbm:s0], s1  }
0xd9: {  	s0 =	simm.s32 @!p0 $0x3  }
0xda: {  	_ =	swait.ge @!p0 [sflag:s0], s1  }
0xdb: {  	s1 =	ssub.s32 @!p0 $0x0, s1;
	[sflag:s0] =	ssyncset.done @!p0 $0x0  }
0xdc: {  	[sflag:s0] =	ssyncadd.s32 @!p0 s1  }
0xdd: {  	[bflag:$0x3] =	sbarrier.arrive $0xFFFF  }
0xde: {  	_ =	shalt  }

</sc_bundles>
